<compile_context>
chip_gen: v7x
topology: tpu7x:2x2x1
jax: 0.10.2.dev20260603
libtpu: 0.0.44.dev20260713+nightly
codegen_flags: <defaults>
</compile_context>

<pallas_src>
import functools
import jax
import jax.numpy as jnp
from jax import lax
from jax.experimental import pallas as pl
from jax.experimental.pallas import tpu as pltpu
from jax.experimental.pallas import tpu_sc as plsc

B, NCH, H, W = 16, 64, 32, 32
NPTS = H * W
BOOK = 1024
N_CLUSTERS = 8
PTILE = 1024
ROWS = PTILE // W

NW = 32
PPW = (B * NPTS) // NW
VL = 16


def _vq_body(c_ref, prec_ref, ze_ref, book_ref, idx_ref, idx2_ref, prob_ref,
             logp_ref, bnorm_ref):
    prec = prec_ref[0]
    b_step = pl.program_id(0)
    p_step = pl.program_id(1)
    book = book_ref[0]

    @pl.when(p_step == 0)
    def _():
        bnorm_ref[0, :] = prec * jnp.sum(book * book, axis=1)

    ze_t = ze_ref[0].reshape(NCH, PTILE)
    zep = ze_t.T * (2.0 * prec)
    g = (jnp.dot(zep, book.T, preferred_element_type=jnp.float32)
         - bnorm_ref[0, :][None, :])
    m = jnp.max(g, axis=1, keepdims=True)
    idx = jnp.argmax(g, axis=1)
    sh = g - m
    e = jnp.exp(sh)
    s = jnp.sum(e, axis=1, keepdims=True)
    prob_ref[0] = e * (1.0 / s)
    logp_ref[0] = sh - jnp.log(s)
    fidx = idx.astype(jnp.int32) + c_ref[b_step] * BOOK
    idx_ref[0, 0] = fidx
    idx2_ref[0, 0] = fidx >> 1


def _make_sc_gather():
    mesh = plsc.VectorSubcoreMesh(core_axis_name="c", subcore_axis_name="s")

    @functools.partial(
        pl.kernel, mesh=mesh,
        out_type=jax.ShapeDtypeStruct((B, NPTS, 128), jnp.float32),
        scratch_types=[
            pltpu.VMEM((PPW,), jnp.int32),
            pltpu.VMEM((PPW, 128), jnp.float32),
            pltpu.SemaphoreType.DMA,
        ],
    )
    def _gather_k(books_hbm, idx_hbm, out_hbm, idx_v, rows_v, sem):
        wid = lax.axis_index("s") * 2 + lax.axis_index("c")
        b = wid // 2
        half = wid % 2
        pltpu.sync_copy(idx_hbm.at[b, 0, pl.ds(half * PPW, PPW)], idx_v)
        pltpu.async_copy(books_hbm.at[idx_v], rows_v, sem).wait()
        pltpu.sync_copy(rows_v, out_hbm.at[b, pl.ds(half * PPW, PPW)])

    return _gather_k


def _sel_body(rows_ref, fidx_ref, zq_ref):
    rows_t = rows_ref[0].T
    odd = (fidx_ref[0] & 1) == 1
    zq_ref[0] = jnp.where(odd, rows_t[NCH:, :], rows_t[:NCH, :])


def kernel(ze, c_logits, books, log_param_q, log_param_q_cls):
    param_q = 1.0 + jnp.exp(log_param_q)
    precision_q = 0.5 / jnp.clip(param_q, 1e-10)
    c = jnp.argmax(c_logits, axis=-1).astype(jnp.int32)
    prec_arr = jnp.reshape(precision_q, (1,)).astype(jnp.float32)

    grid = (B, NPTS // PTILE)
    grid_spec = pltpu.PrefetchScalarGridSpec(
        num_scalar_prefetch=2,
        grid=grid,
        in_specs=[
            pl.BlockSpec((1, NCH, ROWS, W), lambda b, p, c_r, q_r: (b, 0, p, 0)),
            pl.BlockSpec((1, BOOK, NCH), lambda b, p, c_r, q_r: (c_r[b], 0, 0)),
        ],
        out_specs=[
            pl.BlockSpec((1, 1, PTILE), lambda b, p, c_r, q_r: (b, 0, p)),
            pl.BlockSpec((1, 1, PTILE), lambda b, p, c_r, q_r: (b, 0, p)),
            pl.BlockSpec((1, PTILE, BOOK), lambda b, p, c_r, q_r: (b, p, 0)),
            pl.BlockSpec((1, PTILE, BOOK), lambda b, p, c_r, q_r: (b, p, 0)),
        ],
        scratch_shapes=[pltpu.VMEM((1, BOOK), jnp.float32)],
    )
    fidx, fidx2, prob, log_prob = pl.pallas_call(
        _vq_body,
        grid_spec=grid_spec,
        out_shape=[
            jax.ShapeDtypeStruct((B, 1, NPTS), jnp.int32),
            jax.ShapeDtypeStruct((B, 1, NPTS), jnp.int32),
            jax.ShapeDtypeStruct((B, NPTS, BOOK), jnp.float32),
            jax.ShapeDtypeStruct((B, NPTS, BOOK), jnp.float32),
        ],
    )(c, prec_arr, ze, books)

    rows_pm = _make_sc_gather()(books.reshape(N_CLUSTERS * BOOK // 2, 128),
                                fidx2)
    zq_cm = pl.pallas_call(
        _sel_body,
        grid=(B,),
        in_specs=[
            pl.BlockSpec((1, PTILE, 128), lambda b: (b, 0, 0)),
            pl.BlockSpec((1, 1, PTILE), lambda b: (b, 0, 0)),
        ],
        out_specs=pl.BlockSpec((1, NCH, PTILE), lambda b: (b, 0, 0)),
        out_shape=jax.ShapeDtypeStruct((B, NCH, NPTS), jnp.float32),
    )(rows_pm, fidx)
    zq = zq_cm.reshape(B, NCH, H, W)
    return (zq, precision_q, prob, log_prob)

# --- scband reference (transcript-rebuilt; emitter-appended) ---
"""Pipeline reference for scband-gaussian-vector-quantizer-40647570489882 (READ-ONLY COPY).

The authoritative reference and input builder live on the scoring server;
editing this copy changes nothing except your own understanding.
"""

import jax, jax.numpy as jnp
import numpy as np

B, NCH, H, W = 16, 64, 32, 32
NPTS = H * W
BOOK_SIZE = 1024
N_CLUSTERS = 8


def setup_inputs(seed: int = 0) -> dict:
    key = jax.random.key(seed)
    k1, k2, k3 = jax.random.split(key, 3)
    ze = jax.random.normal(k1, (B, NCH, H, W), dtype=jnp.float32)
    c_logits = jax.random.normal(k2, (B, N_CLUSTERS), dtype=jnp.float32)
    # ParameterList of n_clusters books, each [book_size, latent_ndim], stacked
    books = jax.random.normal(k3, (N_CLUSTERS, BOOK_SIZE, NCH), dtype=jnp.float32)
    log_param_q = jnp.asarray(np.log(1.0), dtype=jnp.float32)
    log_param_q_cls = jnp.asarray(np.log(1.0), dtype=jnp.float32)
    return {
        "ze": ze,
        "c_logits": c_logits,
        "books": books,
        "log_param_q": log_param_q,
        "log_param_q_cls": log_param_q_cls,
    }


def reference(ze, c_logits, books, log_param_q, log_param_q_cls):
    # Eval branch (is_train=False): deterministic hard VQ with per-sample book
    b, nch, h, w = ze.shape
    npts = h * w
    book_size = books.shape[1]
    param_q = 1.0 + jnp.exp(log_param_q)
    precision_q = 0.5 / jnp.clip(param_q, 1e-10)
    # permute to channels-last and flatten spatial dims
    ze_p = jnp.transpose(ze, (0, 2, 3, 1)).reshape(b, npts, nch)
    # per-sample cluster selection -> gather one book per sample
    c = jnp.argmax(c_logits, axis=-1)  # [b]
    books_sel = jnp.take(books, c, axis=0)  # [b, book_size, nch]
    # squared-euclidean distances
    d = (
        jnp.sum(ze_p ** 2, axis=2, keepdims=True)
        + jnp.sum(books_sel ** 2, axis=2)[:, None, :]
        - 2.0 * jnp.einsum('bpc,bkc->bpk', ze_p, books_sel)
    )
    logits = -d * precision_q  # [b, npts, book_size]
    # hard assignment via argmax + one-hot scatter
    indices = jnp.argmax(logits, axis=2)  # [b, npts]
    encodings = jax.nn.one_hot(indices, book_size, dtype=ze.dtype)
    zq = jnp.einsum('bpk,bkc->bpc', encodings, books_sel)  # [b, npts, nch]
    zq = zq.reshape(b, h, w, nch).transpose(0, 3, 1, 2)  # back to [b, nch, h, w]
    prob = jax.nn.softmax(logits, axis=-1)
    log_prob = jax.nn.log_softmax(logits, axis=-1)
    return (zq, precision_q, prob, log_prob)

if __name__ == "__main__":
    import jax
    _d = setup_inputs()
    print(jax.jit(kernel)(*tuple(_d.values())))

</pallas_src>

<mosaic_0001>
#map = affine_map<(d0, d1) -> (0, 0)>
#map1 = affine_map<(d0, d1) -> (0, 0, 0)>
module attributes {stable_mosaic.version = 14 : i64} {
  func.func @_gather_k(%arg0: i32, %arg1: i32, %arg2: memref<4096x128xf32, #tpu.memory_space<hbm>>, %arg3: memref<16x1x1024xi32, #tpu.memory_space<hbm>>, %arg4: memref<16x1024x128xf32, #tpu.memory_space<hbm>>, %arg5: memref<512xi32, #tpu.memory_space<vmem>>, %arg6: memref<512x128xf32, #tpu.memory_space<vmem>>, %arg7: memref<!tpu.dma_semaphore, #tpu.memory_space<semaphore_mem>>) attributes {dimension_semantics = [#tpu.dimension_semantics<core_parallel>, #tpu.dimension_semantics<subcore_parallel>], iteration_bounds = array<i64: 2, 16>, scalar_prefetch = 0 : i64, scratch_operands = 3 : i64, tpu.core_type = #tpu.core_type<sc_vector_subcore>, window_params = [{transform_indices = #map}, {transform_indices = #map1}, {transform_indices = #map1}]} {
    %mul3A = arith.constant 2 : i32
    %mul3A_0 = arith.muli %arg1, %mul3A : i32
    %add3A = arith.addi %mul3A_0, %arg0 : i32
    %jit3A = arith.constant 2 : i32
    %div3A = arith.divsi %add3A, %jit3A : i32
    %sign3A = arith.constant 0 : i32
    %sign3A_1 = arith.cmpi sgt, %add3A, %sign3A : i32
    %sign3A_2 = arith.extui %sign3A_1 : i1 to i32
    %sign3A_3 = arith.constant 0 : i32
    %sign3A_4 = arith.cmpi slt, %add3A, %sign3A_3 : i32
    %sign3A_5 = arith.extui %sign3A_4 : i1 to i32
    %sign3A_6 = arith.subi %sign3A_2, %sign3A_5 : i32
    %sign3A_7 = arith.constant 0 : i32
    %sign3A_8 = arith.cmpi sgt, %jit3A, %sign3A_7 : i32
    %sign3A_9 = arith.extui %sign3A_8 : i1 to i32
    %sign3A_10 = arith.constant 0 : i32
    %sign3A_11 = arith.cmpi slt, %jit3A, %sign3A_10 : i32
    %sign3A_12 = arith.extui %sign3A_11 : i1 to i32
    %sign3A_13 = arith.subi %sign3A_9, %sign3A_12 : i32
    %ne3A = arith.cmpi ne, %sign3A_6, %sign3A_13 : i32
    %rem3A = arith.remsi %add3A, %jit3A : i32
    %ne3A_14 = arith.constant 0 : i32
    %ne3A_15 = arith.cmpi ne, %rem3A, %ne3A_14 : i32
    %and3A = arith.andi %ne3A, %ne3A_15 : i1
    %sub3A = arith.constant 1 : i32
    %sub3A_16 = arith.subi %div3A, %sub3A : i32
    %select_n3A = arith.select %and3A, %sub3A_16, %div3A : i32
    %jit3A_17 = arith.constant 2 : i32
    %eq3A = arith.constant 0 : i32
    %eq3A_18 = arith.cmpi eq, %jit3A_17, %eq3A : i32
    %jit3A_19 = arith.constant 1 : i32
    %select_n3A_20 = arith.select %eq3A_18, %jit3A_19, %jit3A_17 : i32
    %rem3A_21 = arith.remsi %add3A, %select_n3A_20 : i32
    %ne3A_22 = arith.constant 0 : i32
    %ne3A_23 = arith.cmpi ne, %rem3A_21, %ne3A_22 : i32
    %lt3A = arith.constant 0 : i32
    %lt3A_24 = arith.cmpi slt, %rem3A_21, %lt3A : i32
    %lt3A_25 = arith.constant 0 : i32
    %lt3A_26 = arith.cmpi slt, %select_n3A_20, %lt3A_25 : i32
    %ne3A_27 = arith.xori %lt3A_24, %lt3A_26 : i1
    %and3A_28 = arith.andi %ne3A_27, %ne3A_23 : i1
    %add3A_29 = arith.addi %rem3A_21, %select_n3A_20 : i32
    %select_n3A_30 = arith.select %and3A_28, %add3A_29, %rem3A_21 : i32
    %mul3A_31 = arith.constant 512 : i32
    %mul3A_32 = arith.muli %select_n3A_30, %mul3A_31 : i32
    %run_scoped3A = arith.constant 0 : i32
    "tpu.region"() ({
      %run_scoped3A_39 = tpu.sem_alloc : memref<!tpu.dma_semaphore, #tpu.memory_space<semaphore_mem>>
      %dma_start3A_40 = tpu.memref_slice %arg3[%select_n3A, %run_scoped3A, %mul3A_32] : memref<16x1x1024xi32, #tpu.memory_space<hbm>> -> memref<1x1x512xi32, #tpu.memory_space<hbm>>
      %dma_start3A_41 = tpu.memref_squeeze %dma_start3A_40 : memref<1x1x512xi32, #tpu.memory_space<hbm>> -> memref<512xi32, #tpu.memory_space<hbm>>
      %dma_start3A_42 = tpu.memref_slice %arg3[%select_n3A, %run_scoped3A, %mul3A_32] : memref<16x1x1024xi32, #tpu.memory_space<hbm>> -> memref<1x1x512xi32, #tpu.memory_space<hbm>>
      %dma_start3A_43 = tpu.memref_squeeze %dma_start3A_42 : memref<1x1x512xi32, #tpu.memory_space<hbm>> -> memref<512xi32, #tpu.memory_space<hbm>>
      tpu.enqueue_dma source(%dma_start3A_43 : memref<512xi32, #tpu.memory_space<hbm>>) target(%arg5 : memref<512xi32, #tpu.memory_space<vmem>>) target_semaphore(%run_scoped3A_39 : memref<!tpu.dma_semaphore, #tpu.memory_space<semaphore_mem>>)
      %dma_wait3A_44 = tpu.memref_slice %arg3[%select_n3A, %run_scoped3A, %mul3A_32] : memref<16x1x1024xi32, #tpu.memory_space<hbm>> -> memref<1x1x512xi32, #tpu.memory_space<hbm>>
      %dma_wait3A_45 = tpu.memref_squeeze %dma_wait3A_44 : memref<1x1x512xi32, #tpu.memory_space<hbm>> -> memref<512xi32, #tpu.memory_space<hbm>>
      %dma_wait3A_46 = tpu.memref_slice %arg3[%select_n3A, %run_scoped3A, %mul3A_32] : memref<16x1x1024xi32, #tpu.memory_space<hbm>> -> memref<1x1x512xi32, #tpu.memory_space<hbm>>
      %dma_wait3A_47 = tpu.memref_squeeze %dma_wait3A_46 : memref<1x1x512xi32, #tpu.memory_space<hbm>> -> memref<512xi32, #tpu.memory_space<hbm>>
      tpu.wait_dma2 semaphore(%run_scoped3A_39 : memref<!tpu.dma_semaphore, #tpu.memory_space<semaphore_mem>>) src(%dma_wait3A_47 : memref<512xi32, #tpu.memory_space<hbm>>) dst(%arg5 : memref<512xi32, #tpu.memory_space<vmem>>)
      tpu.yield
    }) : () -> ()
    %dma_start3A = arith.constant 0 : i32
    %dma_start3A_33 = arith.constant 0 : i32
    %dma_start3A_34 = tpu.memref_slice %arg2[%dma_start3A, %dma_start3A_33] : memref<4096x128xf32, #tpu.memory_space<hbm>> -> memref<4096x128xf32, #tpu.memory_space<hbm>>
    tpu.enqueue_indirect_dma source(%dma_start3A_34 : memref<4096x128xf32, #tpu.memory_space<hbm>>) target(%arg6 : memref<512x128xf32, #tpu.memory_space<vmem>>) offsets(%arg5 : memref<512xi32, #tpu.memory_space<vmem>>) semaphore(%arg7 : memref<!tpu.dma_semaphore, #tpu.memory_space<semaphore_mem>>)
    %dma_wait3A = arith.constant 0 : i32
    %dma_wait3A_35 = arith.constant 0 : i32
    %dma_wait3A_36 = tpu.memref_slice %arg2[%dma_wait3A, %dma_wait3A_35] : memref<4096x128xf32, #tpu.memory_space<hbm>> -> memref<4096x128xf32, #tpu.memory_space<hbm>>
    tpu.wait_indirect_dma semaphore(%arg7 : memref<!tpu.dma_semaphore, #tpu.memory_space<semaphore_mem>>) src(%dma_wait3A_36 : memref<4096x128xf32, #tpu.memory_space<hbm>>) dst(%arg6 : memref<512x128xf32, #tpu.memory_space<vmem>>)
    %mul3A_37 = arith.constant 512 : i32
    %mul3A_38 = arith.muli %select_n3A_30, %mul3A_37 : i32
    "tpu.region"() ({
      %run_scoped3A_39 = tpu.sem_alloc : memref<!tpu.dma_semaphore, #tpu.memory_space<semaphore_mem>>
      %dma_start3A_40 = arith.constant 0 : i32
      %dma_start3A_41 = tpu.memref_slice %arg4[%select_n3A, %mul3A_38, %dma_start3A_40] : memref<16x1024x128xf32, #tpu.memory_space<hbm>> -> memref<1x512x128xf32, #tpu.memory_space<hbm>>
      %dma_start3A_42 = tpu.memref_squeeze %dma_start3A_41 : memref<1x512x128xf32, #tpu.memory_space<hbm>> -> memref<512x128xf32, #tpu.memory_space<hbm>>
      %dma_start3A_43 = arith.constant 0 : i32
      %dma_start3A_44 = tpu.memref_slice %arg4[%select_n3A, %mul3A_38, %dma_start3A_43] : memref<16x1024x128xf32, #tpu.memory_space<hbm>> -> memref<1x512x128xf32, #tpu.memory_space<hbm>>
      %dma_start3A_45 = tpu.memref_squeeze %dma_start3A_44 : memref<1x512x128xf32, #tpu.memory_space<hbm>> -> memref<512x128xf32, #tpu.memory_space<hbm>>
      tpu.enqueue_dma source(%arg6 : memref<512x128xf32, #tpu.memory_space<vmem>>) target(%dma_start3A_45 : memref<512x128xf32, #tpu.memory_space<hbm>>) target_semaphore(%run_scoped3A_39 : memref<!tpu.dma_semaphore, #tpu.memory_space<semaphore_mem>>)
      %dma_wait3A_46 = arith.constant 0 : i32
      %dma_wait3A_47 = tpu.memref_slice %arg4[%select_n3A, %mul3A_38, %dma_wait3A_46] : memref<16x1024x128xf32, #tpu.memory_space<hbm>> -> memref<1x512x128xf32, #tpu.memory_space<hbm>>
      %dma_wait3A_48 = tpu.memref_squeeze %dma_wait3A_47 : memref<1x512x128xf32, #tpu.memory_space<hbm>> -> memref<512x128xf32, #tpu.memory_space<hbm>>
      %dma_wait3A_49 = arith.constant 0 : i32
      %dma_wait3A_50 = tpu.memref_slice %arg4[%select_n3A, %mul3A_38, %dma_wait3A_49] : memref<16x1024x128xf32, #tpu.memory_space<hbm>> -> memref<1x512x128xf32, #tpu.memory_space<hbm>>
      %dma_wait3A_51 = tpu.memref_squeeze %dma_wait3A_50 : memref<1x512x128xf32, #tpu.memory_space<hbm>> -> memref<512x128xf32, #tpu.memory_space<hbm>>
      tpu.wait_dma2 semaphore(%run_scoped3A_39 : memref<!tpu.dma_semaphore, #tpu.memory_space<semaphore_mem>>) src(%arg6 : memref<512x128xf32, #tpu.memory_space<vmem>>) dst(%dma_wait3A_51 : memref<512x128xf32, #tpu.memory_space<hbm>>)
      tpu.yield
    }) : () -> ()
    return
  }
}

module attributes {stable_mosaic.version = 14 : i64} {
  func.func @_vq_body(%arg0: i32, %arg1: i32, %arg2: memref<16xi32, #tpu.memory_space<smem>>, %arg3: memref<1xf32, #tpu.memory_space<smem>>, %arg4: memref<1x64x32x32xf32, #tpu.memory_space<vmem>>, %arg5: memref<1x1024x64xf32, #tpu.memory_space<vmem>>, %arg6: memref<1x1x1024xi32, #tpu.memory_space<vmem>>, %arg7: memref<1x1x1024xi32, #tpu.memory_space<vmem>>, %arg8: memref<1x1024x1024xf32, #tpu.memory_space<vmem>>, %arg9: memref<1x1024x1024xf32, #tpu.memory_space<vmem>>, %arg10: memref<1x1024xf32, #tpu.memory_space<vmem>>) attributes {dimension_semantics = [#tpu.dimension_semantics<arbitrary>, #tpu.dimension_semantics<arbitrary>], iteration_bounds = array<i64: 16, 1>, scalar_prefetch = 2 : i64, scratch_operands = 1 : i64, tpu.core_type = #tpu.core_type<tc>, window_params = [{transform_indices = @transform_0, window_bounds = array<i64: 1, 64, 32, 32>}, {transform_indices = @transform_1, window_bounds = array<i64: 1, 1024, 64>}, {transform_indices = @transform_2, window_bounds = array<i64: 1, 1, 1024>}, {transform_indices = @transform_3, window_bounds = array<i64: 1, 1, 1024>}, {transform_indices = @transform_4, window_bounds = array<i64: 1, 1024, 1024>}, {transform_indices = @transform_5, window_bounds = array<i64: 1, 1024, 1024>}]} {
    %get3A = arith.constant 0 : index
    %get3A_0 = memref.load %arg3[%get3A] : memref<1xf32, #tpu.memory_space<smem>>
    %get3A_1 = arith.constant 0 : index
    %get3A_2 = arith.constant 0 : index
    %get3A_3 = arith.constant 0 : index
    %get3A_4 = vector.load %arg5[%get3A_1, %get3A_2, %get3A_3] : memref<1x1024x64xf32, #tpu.memory_space<vmem>>, vector<1x1024x64xf32>
    %get3A_5 = vector.shape_cast %get3A_4 : vector<1x1024x64xf32> to vector<1024x64xf32>
    %eq3A = arith.constant 0 : i32
    %eq3A_6 = arith.cmpi eq, %arg1, %eq3A : i32
    %convert_element_type3A = arith.extui %eq3A_6 : i1 to i32
    %cond3A = arith.constant 0 : i32
    %cond3A_7 = arith.cmpi ne, %convert_element_type3A, %cond3A : i32
    scf.if %cond3A_7 {
      %mul3A_66 = arith.mulf %get3A_5, %get3A_5 : vector<1024x64xf32>
      %reduce_sum3A_67 = arith.constant dense<0.000000e+00> : vector<1024xf32>
      %reduce_sum3A_68 = vector.multi_reduction <add>, %mul3A_66, %reduce_sum3A_67 [1] : vector<1024x64xf32> to vector<1024xf32>
      %mul3A_69 = vector.broadcast %get3A_0 : f32 to vector<1024xf32>
      %mul3A_70 = arith.mulf %mul3A_69, %reduce_sum3A_68 : vector<1024xf32>
      %swap3A_71 = arith.constant 0 : index
      %swap3A_72 = arith.constant 0 : index
      %swap3A_73 = vector.load %arg10[%swap3A_71, %swap3A_72] : memref<1x1024xf32, #tpu.memory_space<vmem>>, vector<1x1024xf32>
      %swap3A_74 = vector.shape_cast %swap3A_73 : vector<1x1024xf32> to vector<1024xf32>
      %swap3A_75 = vector.shape_cast %mul3A_70 : vector<1024xf32> to vector<1x1024xf32>
      tpu.vector_store %arg10[%swap3A_71, %swap3A_72], %swap3A_75 {strides = array<i32>} : memref<1x1024xf32, #tpu.memory_space<vmem>>, vector<1x1024xf32>,
    } else {
    }
    %get3A_8 = arith.constant 0 : index
    %get3A_9 = arith.constant 0 : index
    %get3A_10 = arith.constant 0 : index
    %get3A_11 = arith.constant 0 : index
    %get3A_12 = vector.load %arg4[%get3A_8, %get3A_9, %get3A_10, %get3A_11] : memref<1x64x32x32xf32, #tpu.memory_space<vmem>>, vector<1x64x32x32xf32>
    %get3A_13 = vector.shape_cast %get3A_12 : vector<1x64x32x32xf32> to vector<64x32x32xf32>
    %reshape3A = vector.shape_cast %get3A_13 : vector<64x32x32xf32> to vector<64x1024xf32>
    %transpose3A = tpu.transpose %reshape3A, [1, 0] : vector<64x1024xf32> -> vector<1024x64xf32>
    %mul3A = arith.constant 2.000000e+00 : f32
    %mul3A_14 = arith.mulf %mul3A, %get3A_0 : f32
    %mul3A_15 = vector.broadcast %mul3A_14 : f32 to vector<1024x64xf32>
    %mul3A_16 = arith.mulf %transpose3A, %mul3A_15 : vector<1024x64xf32>
    %transpose3A_17 = tpu.transpose %get3A_5, [1, 0] : vector<1024x64xf32> -> vector<64x1024xf32>
    %dot_general3A = arith.constant dense<0.000000e+00> : vector<1024x1024xf32>
    %dot_general3A_18 = tpu.matmul %mul3A_16, %transpose3A_17, %dot_general3A {dimension_numbers = #tpu.dot_dimension_numbers<[1], [0], [0], [1], [0, 0, 1, 1], [], []>, transpose_lhs_hint = false} : vector<1024x64xf32>, vector<64x1024xf32>, vector<1024x1024xf32> -> vector<1024x1024xf32>
    %get3A_19 = arith.constant 0 : index
    %get3A_20 = arith.constant 0 : index
    %get3A_21 = vector.load %arg10[%get3A_19, %get3A_20] : memref<1x1024xf32, #tpu.memory_space<vmem>>, vector<1x1024xf32>
    %get3A_22 = vector.shape_cast %get3A_21 : vector<1x1024xf32> to vector<1024xf32>
    %broadcast_in_dim3A = vector.shape_cast %get3A_22 : vector<1024xf32> to vector<1x1024xf32>
    %sub3A = vector.broadcast %broadcast_in_dim3A : vector<1x1024xf32> to vector<1024x1024xf32>
    %sub3A_23 = arith.subf %dot_general3A_18, %sub3A : vector<1024x1024xf32>
    %reduce_max3A = arith.constant dense<0xFF800000> : vector<1024xf32>
    %reduce_max3A_24 = vector.multi_reduction <maximumf>, %sub3A_23, %reduce_max3A [1] : vector<1024x1024xf32> to vector<1024xf32>
    %broadcast_in_dim3A_25 = vector.shape_cast %reduce_max3A_24 : vector<1024xf32> to vector<1024x1xf32>
    %argmax3A = tpu.reduce_index %sub3A_23 {axis = 1 : i32, kind = #tpu.reduction_kind<arg_max>} : vector<1024x1024xf32> -> vector<1024xi32>
    %sub3A_26 = vector.broadcast %broadcast_in_dim3A_25 : vector<1024x1xf32> to vector<1024x1024xf32>
    %sub3A_27 = arith.subf %sub3A_23, %sub3A_26 : vector<1024x1024xf32>
    %exp3A = math.exp %sub3A_27 : vector<1024x1024xf32>
    %reduce_sum3A = arith.constant dense<0.000000e+00> : vector<1024xf32>
    %reduce_sum3A_28 = vector.multi_reduction <add>, %exp3A, %reduce_sum3A [1] : vector<1024x1024xf32> to vector<1024xf32>
    %broadcast_in_dim3A_29 = vector.shape_cast %reduce_sum3A_28 : vector<1024xf32> to vector<1024x1xf32>
    %div3A = arith.constant 1.000000e+00 : f32
    %div3A_30 = vector.broadcast %div3A : f32 to vector<1024x1xf32>
    %div3A_31 = arith.divf %div3A_30, %broadcast_in_dim3A_29 : vector<1024x1xf32>
    %mul3A_32 = vector.broadcast %div3A_31 : vector<1024x1xf32> to vector<1024x1024xf32>
    %mul3A_33 = arith.mulf %exp3A, %mul3A_32 : vector<1024x1024xf32>
    %swap3A = arith.constant 0 : index
    %swap3A_34 = arith.constant 0 : index
    %swap3A_35 = arith.constant 0 : index
    %swap3A_36 = vector.load %arg8[%swap3A, %swap3A_34, %swap3A_35] : memref<1x1024x1024xf32, #tpu.memory_space<vmem>>, vector<1x1024x1024xf32>
    %swap3A_37 = vector.shape_cast %swap3A_36 : vector<1x1024x1024xf32> to vector<1024x1024xf32>
    %swap3A_38 = vector.shape_cast %mul3A_33 : vector<1024x1024xf32> to vector<1x1024x1024xf32>
    tpu.vector_store %arg8[%swap3A, %swap3A_34, %swap3A_35], %swap3A_38 {strides = array<i32>} : memref<1x1024x1024xf32, #tpu.memory_space<vmem>>, vector<1x1024x1024xf32>,
    %log3A = math.log %broadcast_in_dim3A_29 : vector<1024x1xf32>
    %sub3A_39 = vector.broadcast %log3A : vector<1024x1xf32> to vector<1024x1024xf32>
    %sub3A_40 = arith.subf %sub3A_27, %sub3A_39 : vector<1024x1024xf32>
    %swap3A_41 = arith.constant 0 : index
    %swap3A_42 = arith.constant 0 : index
    %swap3A_43 = arith.constant 0 : index
    %swap3A_44 = vector.load %arg9[%swap3A_41, %swap3A_42, %swap3A_43] : memref<1x1024x1024xf32, #tpu.memory_space<vmem>>, vector<1x1024x1024xf32>
    %swap3A_45 = vector.shape_cast %swap3A_44 : vector<1x1024x1024xf32> to vector<1024x1024xf32>
    %swap3A_46 = vector.shape_cast %sub3A_40 : vector<1024x1024xf32> to vector<1x1024x1024xf32>
    tpu.vector_store %arg9[%swap3A_41, %swap3A_42, %swap3A_43], %swap3A_46 {strides = array<i32>} : memref<1x1024x1024xf32, #tpu.memory_space<vmem>>, vector<1x1024x1024xf32>,
    %get3A_47 = arith.index_cast %arg0 : i32 to index
    %get3A_48 = memref.load %arg2[%get3A_47] : memref<16xi32, #tpu.memory_space<smem>>
    %mul3A_49 = arith.constant 1024 : i32
    %mul3A_50 = arith.muli %get3A_48, %mul3A_49 : i32
    %add3A = vector.broadcast %mul3A_50 : i32 to vector<1024xi32>
    %add3A_51 = arith.addi %argmax3A, %add3A : vector<1024xi32>
    %swap3A_52 = arith.constant 0 : index
    %swap3A_53 = arith.constant 0 : index
    %swap3A_54 = arith.constant 0 : index
    %swap3A_55 = vector.load %arg6[%swap3A_52, %swap3A_53, %swap3A_54] : memref<1x1x1024xi32, #tpu.memory_space<vmem>>, vector<1x1x1024xi32>
    %swap3A_56 = vector.shape_cast %swap3A_55 : vector<1x1x1024xi32> to vector<1024xi32>
    %swap3A_57 = vector.shape_cast %add3A_51 : vector<1024xi32> to vector<1x1x1024xi32>
    tpu.vector_store %arg6[%swap3A_52, %swap3A_53, %swap3A_54], %swap3A_57 {strides = array<i32>} : memref<1x1x1024xi32, #tpu.memory_space<vmem>>, vector<1x1x1024xi32>,
    %shift_right_arithmetic3A = arith.constant 1 : i32
    %shift_right_arithmetic3A_58 = vector.broadcast %shift_right_arithmetic3A : i32 to vector<1024xi32>
    %shift_right_arithmetic3A_59 = arith.shrsi %add3A_51, %shift_right_arithmetic3A_58 : vector<1024xi32>
    %swap3A_60 = arith.constant 0 : index
    %swap3A_61 = arith.constant 0 : index
    %swap3A_62 = arith.constant 0 : index
    %swap3A_63 = vector.load %arg7[%swap3A_60, %swap3A_61, %swap3A_62] : memref<1x1x1024xi32, #tpu.memory_space<vmem>>, vector<1x1x1024xi32>
    %swap3A_64 = vector.shape_cast %swap3A_63 : vector<1x1x1024xi32> to vector<1024xi32>
    %swap3A_65 = vector.shape_cast %shift_right_arithmetic3A_59 : vector<1024xi32> to vector<1x1x1024xi32>
    tpu.vector_store %arg7[%swap3A_60, %swap3A_61, %swap3A_62], %swap3A_65 {strides = array<i32>} : memref<1x1x1024xi32, #tpu.memory_space<vmem>>, vector<1x1x1024xi32>,
    return
  }
  func.func @transform_0(%arg0: i32, %arg1: i32, %arg2: memref<16xi32, #tpu.memory_space<smem>>, %arg3: memref<1xf32, #tpu.memory_space<smem>>) -> (i32, i32, i32, i32) {
    %c0_i32 = arith.constant 0 : i32
    %c0_i32_0 = arith.constant 0 : i32
    %c0_i32_1 = arith.constant 0 : i32
    return %arg0, %c0_i32, %arg1, %c0_i32_0 : i32, i32, i32, i32
  }
  func.func @transform_1(%arg0: i32, %arg1: i32, %arg2: memref<16xi32, #tpu.memory_space<smem>>, %arg3: memref<1xf32, #tpu.memory_space<smem>>) -> (i32, i32, i32) {
    %get3A = arith.index_cast %arg0 : i32 to index
    %get3A_0 = memref.load %arg2[%get3A] : memref<16xi32, #tpu.memory_space<smem>>
    %c0_i32 = arith.constant 0 : i32
    %c0_i32_1 = arith.constant 0 : i32
    %c0_i32_2 = arith.constant 0 : i32
    return %get3A_0, %c0_i32, %c0_i32_1 : i32, i32, i32
  }
  func.func @transform_2(%arg0: i32, %arg1: i32, %arg2: memref<16xi32, #tpu.memory_space<smem>>, %arg3: memref<1xf32, #tpu.memory_space<smem>>) -> (i32, i32, i32) {
    %c0_i32 = arith.constant 0 : i32
    %c0_i32_0 = arith.constant 0 : i32
    return %arg0, %c0_i32, %arg1 : i32, i32, i32
  }
  func.func @transform_3(%arg0: i32, %arg1: i32, %arg2: memref<16xi32, #tpu.memory_space<smem>>, %arg3: memref<1xf32, #tpu.memory_space<smem>>) -> (i32, i32, i32) {
    %c0_i32 = arith.constant 0 : i32
    %c0_i32_0 = arith.constant 0 : i32
    return %arg0, %c0_i32, %arg1 : i32, i32, i32
  }
  func.func @transform_4(%arg0: i32, %arg1: i32, %arg2: memref<16xi32, #tpu.memory_space<smem>>, %arg3: memref<1xf32, #tpu.memory_space<smem>>) -> (i32, i32, i32) {
    %c0_i32 = arith.constant 0 : i32
    %c0_i32_0 = arith.constant 0 : i32
    return %arg0, %arg1, %c0_i32 : i32, i32, i32
  }
  func.func @transform_5(%arg0: i32, %arg1: i32, %arg2: memref<16xi32, #tpu.memory_space<smem>>, %arg3: memref<1xf32, #tpu.memory_space<smem>>) -> (i32, i32, i32) {
    %c0_i32 = arith.constant 0 : i32
    %c0_i32_0 = arith.constant 0 : i32
    return %arg0, %arg1, %c0_i32 : i32, i32, i32
  }
}

module attributes {stable_mosaic.version = 14 : i64} {
  func.func @_sel_body(%arg0: i32, %arg1: memref<1x1024x128xf32, #tpu.memory_space<vmem>>, %arg2: memref<1x1x1024xi32, #tpu.memory_space<vmem>>, %arg3: memref<1x64x1024xf32, #tpu.memory_space<vmem>>) attributes {dimension_semantics = [#tpu.dimension_semantics<arbitrary>], iteration_bounds = array<i64: 16>, scalar_prefetch = 0 : i64, scratch_operands = 0 : i64, tpu.core_type = #tpu.core_type<tc>, window_params = [{transform_indices = @transform_0, window_bounds = array<i64: 1, 1024, 128>}, {transform_indices = @transform_1, window_bounds = array<i64: 1, 1, 1024>}, {transform_indices = @transform_2, window_bounds = array<i64: 1, 64, 1024>}]} {
    %get3A = arith.constant 0 : index
    %get3A_0 = arith.constant 0 : index
    %get3A_1 = arith.constant 0 : index
    %get3A_2 = vector.load %arg1[%get3A, %get3A_0, %get3A_1] : memref<1x1024x128xf32, #tpu.memory_space<vmem>>, vector<1x1024x128xf32>
    %get3A_3 = vector.shape_cast %get3A_2 : vector<1x1024x128xf32> to vector<1024x128xf32>
    %transpose3A = tpu.transpose %get3A_3, [1, 0] : vector<1024x128xf32> -> vector<128x1024xf32>
    %get3A_4 = arith.constant 0 : index
    %get3A_5 = arith.constant 0 : index
    %get3A_6 = arith.constant 0 : index
    %get3A_7 = vector.load %arg2[%get3A_4, %get3A_5, %get3A_6] : memref<1x1x1024xi32, #tpu.memory_space<vmem>>, vector<1x1x1024xi32>
    %get3A_8 = vector.shape_cast %get3A_7 : vector<1x1x1024xi32> to vector<1x1024xi32>
    %and3A = arith.constant 1 : i32
    %and3A_9 = vector.broadcast %and3A : i32 to vector<1x1024xi32>
    %and3A_10 = arith.andi %get3A_8, %and3A_9 : vector<1x1024xi32>
    %eq3A = arith.constant 1 : i32
    %eq3A_11 = vector.broadcast %eq3A : i32 to vector<1x1024xi32>
    %eq3A_12 = arith.cmpi eq, %and3A_10, %eq3A_11 : vector<1x1024xi32>
    %slice3A = vector.extract_strided_slice %transpose3A {offsets = [64, 0], sizes = [64, 1024], strides = [1, 1]} : vector<128x1024xf32> to vector<64x1024xf32>
    %slice3A_13 = vector.extract_strided_slice %transpose3A {offsets = [0, 0], sizes = [64, 1024], strides = [1, 1]} : vector<128x1024xf32> to vector<64x1024xf32>
    %broadcast_in_dim3A = vector.shape_cast %eq3A_12 : vector<1x1024xi1> to vector<1x1024xi1>
    %broadcast_in_dim3A_14 = vector.broadcast %broadcast_in_dim3A : vector<1x1024xi1> to vector<64x1024xi1>
    %select_n3A = arith.select %broadcast_in_dim3A_14, %slice3A, %slice3A_13 : vector<64x1024xi1>, vector<64x1024xf32>
    %swap3A = arith.constant 0 : index
    %swap3A_15 = arith.constant 0 : index
    %swap3A_16 = arith.constant 0 : index
    %swap3A_17 = vector.load %arg3[%swap3A, %swap3A_15, %swap3A_16] : memref<1x64x1024xf32, #tpu.memory_space<vmem>>, vector<1x64x1024xf32>
    %swap3A_18 = vector.shape_cast %swap3A_17 : vector<1x64x1024xf32> to vector<64x1024xf32>
    %swap3A_19 = vector.shape_cast %select_n3A : vector<64x1024xf32> to vector<1x64x1024xf32>
    tpu.vector_store %arg3[%swap3A, %swap3A_15, %swap3A_16], %swap3A_19 {strides = array<i32>} : memref<1x64x1024xf32, #tpu.memory_space<vmem>>, vector<1x64x1024xf32>,
    return
  }
  func.func @transform_0(%arg0: i32) -> (i32, i32, i32) {
    %c0_i32 = arith.constant 0 : i32
    %c0_i32_0 = arith.constant 0 : i32
    %c0_i32_1 = arith.constant 0 : i32
    return %arg0, %c0_i32, %c0_i32_0 : i32, i32, i32
  }
  func.func @transform_1(%arg0: i32) -> (i32, i32, i32) {
    %c0_i32 = arith.constant 0 : i32
    %c0_i32_0 = arith.constant 0 : i32
    %c0_i32_1 = arith.constant 0 : i32
    return %arg0, %c0_i32, %c0_i32_0 : i32, i32, i32
  }
  func.func @transform_2(%arg0: i32) -> (i32, i32, i32) {
    %c0_i32 = arith.constant 0 : i32
    %c0_i32_0 = arith.constant 0 : i32
    %c0_i32_1 = arith.constant 0 : i32
    return %arg0, %c0_i32, %c0_i32_0 : i32, i32, i32
  }
}

</mosaic_0001>

<sc_bundles>
// kernel: kernel.5.cloned.1.call-start
scs
__scs_entry_jumppad:
0x0: {  	(pc) =	sbr.rel $0x88, $3  }
0x1: {  	(tag) =	ssettag $0x0;
	lr =	simm.s32 $0x1  }
0x2: {  	[smem:$0x3F9D] =	sst lr;
	_ =	strace $0xD0000000  }
0x3: {  	_ = 	snop  }
0x4: {  	_ = 	snop  }
0x5: {  	_ = 	snop  }
0x6: {  	_ = 	snop  }
0x7: {  	_ = 	snop  }
__scs_overlays_trampoline_lowered:
0x8: {  	[smem:$0x3FAC] =	sst s0  }
0x9: {  	[smem:$0x3FAD] =	sst s1  }
0xa: {  	[smem:$0x3FAE] =	sst s2  }
0xb: {  	[smem:$0x3FAF] =	sst s3  }
0xc: {  	[smem:$0x3FB0] =	sst s4  }
0xd: {  	[smem:$0x3FB1] =	sst s5  }
0xe: {  	[smem:$0x3FB2] =	sst s6  }
0xf: {  	[smem:$0x3FB3] =	sst s7  }
0x10: {  	[smem:$0x3FB4] =	sst s8  }
0x11: {  	[smem:$0x3FB5] =	sst s9;
	s0 =	simm.s32 @!p0 $0x0  }
0x12: {  	s1 =	sld [smem:$0x3F9B];
	s0 =	simm.s32 @p0 $0x1  }
0x13: {  	[smem:$0x3FB6] =	sst s0;
	s0 =	simm.s32 @!p1 $0x0  }
0x14: {  	s2 =	sld [smem:$0x3F9A];
	s0 =	simm.s32 @p1 $0x1  }
0x15: {  	[smem:$0x3FB7] =	sst s0;
	s0 =	simm.s32 @!p2 $0x0  }
0x16: {  	s3 =	sld [smem:$0x3FDB];
	s0 =	simm.s32 @p2 $0x1  }
0x17: {  	s4 =	simm.s32 $0x1BF5;
	[smem:$0x3FB9] =	sst s0  }
0x18: {  	s0 =	sld [smem:$0x3F9C];
	_ =	swait.ge [sflag:s4], $0x0  }
0x19: {  	s7 =	sld [smem:$0x3F9D]  }
0x1a: {  	s8 =	sadd.s32 $0xFFFFE003, lr  }
0x1b: {  	s9 =	sadd.s32 $0xFFFFFEF7, lr;
	s5 =	simm.s32 $0xFFFFFFFF;
	p2 =	slt.u32 s8, $0xFFFFF086  }
0x1c: {  	p1 =	slt.u32 s9, $0xF7A;
	s5 =	simm.s32 @!p2 $0x0  }
0x1d: {  	s5 =	simm.s32 @p1 $0x1;
	p0 =	seq.s32 s7, s2  }
0x1e: {  	s7 =	smul.u32 @!p0 $0xF7A, s2;
	p2 =	seq.s32 @!p0 s5, $0x0  }
0x1f: {  	s9 =	smul.u32 $0xF7A, s1;
	s8 =	simm.s32 @!p0 $0x1BF5;
	p2 =	por !p2, p0  }
0x20: {  	[sflag:s8] =	ssyncset.s32 @!p0 $0xFFFFF086;
	s6 =	sadd.s32 @!p0 s3, s7;
	s7 =	simm.s32 @!p0 $0x108  }
0x21: {  	s3 =	sadd.s32 s3, s9;
	s6 =	sadd.s32 @!p0 $0x88, s6;
	s7 =	simm.s32 @p2 $0x1082  }
0x22: {  	[simem:s7], [sflag:s8] =	dma.local @!p0 [hbm:s6], $0xF7A  }
0x23: {  	s9 =	sor.u32 $0xD0000000, s2;
	s6 =	simm.s32 $0x108;
	_ =	swait.ge @!p0 [sflag:s8], $0x0  }
0x24: {  	s3 =	sadd.s32 $0x88, s3;
	s6 =	simm.s32 @!p1 $0x1082;
	[sflag:s4] =	ssyncset.s32 $0xFFFFF086  }
0x25: {  	[simem:s6], [sflag:s4] =	dma.local [hbm:s3], $0xF7A  }
0x26: {  	[smem:$0x3F9D] =	sst s1;
	(tag) =	ssettag s2;
	_ =	strace s9  }
0x27: {  	s1 =	sld [smem:$0x3FAD]  }
0x28: {  	s2 =	sld [smem:$0x3FAE]  }
0x29: {  	s4 =	sld [smem:$0x3FB0]  }
0x2a: {  	p0 =	seq.s32 s5, $0x0;
	s5 =	sld [smem:$0x3FB1]  }
0x2b: {  	s6 =	sld [smem:$0x3FB2]  }
0x2c: {  	s7 =	sld [smem:$0x3FB3]  }
0x2d: {  	s3 =	simm.s32 $0x108;
	s8 =	sld [smem:$0x3FB4]  }
0x2e: {  	s3 =	simm.s32 @!p0 $0x1082;
	s9 =	sld [smem:$0x3FB5]  }
0x2f: {  	lr =	sadd.s32 s0, s3;
	s0 =	sld [smem:$0x3FAC]  }
0x30: {  	s3 =	sld [smem:$0x3FAF]  }
0x31: {  	[smem:$0x3FB8] =	sst s10  }
0x32: {  	s10 =	sld [smem:$0x3FB6];
	_ =	sdelay $0x3  }
0x33: {  	p0 =	seq.s32 s10, $0x1;
	s10 =	sld [smem:$0x3FB8];
	_ =	sdelay $0x3  }
0x34: {  	[smem:$0x3FB8] =	sst s10  }
0x35: {  	s10 =	sld [smem:$0x3FB7];
	_ =	sdelay $0x3  }
0x36: {  	p1 =	seq.s32 s10, $0x1;
	s10 =	sld [smem:$0x3FB8];
	_ =	sdelay $0x3  }
0x37: {  	[smem:$0x3FB8] =	sst s10  }
0x38: {  	s10 =	sld [smem:$0x3FB9]  }
0x39: {  	_ = 	snop;
	(pc) =	sbr.ind lr, $3  }
0x3a: {  	_ = 	snop  }
0x3b: {  	_ = 	snop  }
0x3c: {  	p2 =	seq.s32 s10, $0x1;
	s10 =	sld [smem:$0x3FB8]  }
0x3d: {  	_ =	shalt  }
0x3e: {  	_ =	shalt  }
0x3f: {  	_ =	shalt  }
0x40: {  	_ =	shalt  }
0x41: {  	_ =	shalt  }
0x42: {  	_ =	shalt  }
0x43: {  	_ =	shalt  }
0x44: {  	_ =	shalt  }
0x45: {  	_ =	shalt  }
0x46: {  	_ =	shalt  }
0x47: {  	_ =	shalt  }
0x48: {  	_ =	shalt  }
0x49: {  	_ =	shalt  }
0x4a: {  	_ =	shalt  }
0x4b: {  	_ =	shalt  }
0x4c: {  	_ =	shalt  }
0x4d: {  	_ =	shalt  }
0x4e: {  	_ =	shalt  }
0x4f: {  	_ =	shalt  }
0x50: {  	_ =	shalt  }
0x51: {  	_ =	shalt  }
0x52: {  	_ =	shalt  }
0x53: {  	_ =	shalt  }
0x54: {  	_ =	shalt  }
0x55: {  	_ =	shalt  }
0x56: {  	_ =	shalt  }
0x57: {  	_ =	shalt  }
0x58: {  	_ =	shalt  }
0x59: {  	_ =	shalt  }
0x5a: {  	_ =	shalt  }
0x5b: {  	_ =	shalt  }
0x5c: {  	_ =	shalt  }
0x5d: {  	_ =	shalt  }
0x5e: {  	_ =	shalt  }
0x5f: {  	_ =	shalt  }
0x60: {  	_ =	shalt  }
0x61: {  	_ =	shalt  }
0x62: {  	_ =	shalt  }
0x63: {  	_ =	shalt  }
0x64: {  	_ =	shalt  }
0x65: {  	_ =	shalt  }
0x66: {  	_ =	shalt  }
0x67: {  	_ =	shalt  }
0x68: {  	_ =	shalt  }
0x69: {  	_ =	shalt  }
0x6a: {  	_ =	shalt  }
0x6b: {  	_ =	shalt  }
0x6c: {  	_ =	shalt  }
0x6d: {  	_ =	shalt  }
0x6e: {  	_ =	shalt  }
0x6f: {  	_ =	shalt  }
0x70: {  	_ =	shalt  }
0x71: {  	_ =	shalt  }
0x72: {  	_ =	shalt  }
0x73: {  	_ =	shalt  }
0x74: {  	_ =	shalt  }
0x75: {  	_ =	shalt  }
0x76: {  	_ =	shalt  }
0x77: {  	_ =	shalt  }
0x78: {  	_ =	shalt  }
0x79: {  	_ =	shalt  }
0x7a: {  	_ =	shalt  }
0x7b: {  	_ =	shalt  }
0x7c: {  	_ =	shalt  }
0x7d: {  	_ =	shalt  }
0x7e: {  	_ =	shalt  }
0x7f: {  	_ =	shalt  }
0x80: {  	_ =	shalt  }
0x81: {  	_ =	shalt  }
0x82: {  	_ =	shalt  }
0x83: {  	_ =	shalt  }
0x84: {  	_ =	shalt  }
0x85: {  	_ =	shalt  }
0x86: {  	_ =	shalt  }
0x87: {  	_ =	shalt  }
.Lfunc_end0:
.L_simem_size_0:
called_computation_lowered:
.L_overlay_start_0:
0x88: {  	s2 =	sld [smem:$0x3FD9]  }
0x89: {  	s3 =	sld [smem:$0x3FFE];
	_ =	sdelay $0x1  }
0x8a: {  	s1 =	srdreg.scid  }
0x8b: {  	s0 =	sand.u32 $0x1, s1  }
0x8c: {  	s14 =	sshll.u32 s0, $0xA;
	s2 =	sadd.s32 s3, s2  }
0x8d: {  	s2 =	sadd.s32 s2, s14  }
0x8e: {  	[smem:$0x3FC4] =	sst s2  }
0x8f: {  	_ = 	snop  }
0x90: {  	s2 =	sld [smem:$0x3FD0];
	_ =	sdelay $0x2  }
0x91: {  	s15 =	simm.s32 $0xA;
	s4 =	simm.s32 $0x10  }
0x92: {  	[smem:s4], [sflag:s15] =	dma.local [hbm:s2], $0x1  }
0x93: {  	_ =	swait.eq [sflag:s15], $0x1  }
0x94: {  	[sflag:s15] =	ssyncset.done $0x0  }
0x95: {  	[sflag:s15] =	ssyncadd.s32 $0xFFFFFFFF  }
0x96: {  	s16 =	sld [smem:$0x10];
	(tm) =	ssettm $0x1  }
0x97: {  	s17 =	sld [smem:$0x3FFB];
	_ =	sdelay $0x3  }
0x98: {  	_ =	strace s17  }
0x99: {  	s3 =	sld [smem:$0x3FFC];
	_ =	sdelay $0x3  }
0x9a: {  	_ =	strace s3  }
0x9b: {  	s3 =	sld [smem:$0x3FFD];
	_ =	sdelay $0x3  }
0x9c: {  	_ =	strace s3  }
0x9d: {  	_ =	strace $0x8FFFFFFF  }
0x9e: {  	s18 =	sld [smem:$0x3FDB];
	_ =	sdelay $0x1  }
0x9f: {  	s19 =	simm.s32 $_scs_section_size  }
0xa0: {  	s5 =	simm.s32 $_size__tile_overlayer_lowered;
	s6 =	simm.s32 $_tile_overlayer_lowered  }
0xa1: {  	s22 =	simm.s32 $0x1BFF;
	s21 =	sshll.u32 s6, $0x1;
	s3 =	sadd.s32 s19, s18  }
0xa2: {  	s7 =	simm.s32 $0x0;
	s20 =	sshll.u32 s5, $0x1;
	s5 =	sadd.s32 s21, s3  }
0xa3: {  	[timem:s7], [sflag:s22] =	dma.local [hbm:s5], s20  }
0xa4: {  	_ =	swait.ge [sflag:s22], s20  }
0xa5: {  	s4 =	ssub.s32 $0x0, s20;
	[sflag:s22] =	ssyncset.done $0x0  }
0xa6: {  	[sflag:s22] =	ssyncadd.s32 s4;
	_ =	sdelay $0x1  }
0xa7: {  	s23 =	simm.s32 $0x1B8B  }
0xa8: {  	_ =	swait.ge [sflag:s23], $0x1  }
0xa9: {  	[sflag:s23] =	ssyncset.done $0x0  }
0xaa: {  	s25 =	simm.s32 $0x1B8E;
	s24 =	sld [smem:$0x3FFE];
	[sflag:s23] =	ssyncadd.s32 $0xFFFFFFFF  }
0xab: {  	s26 =	simm.s32 $execute0_lowered;
	[smem:$0x3FD2] =	sst s25  }
0xac: {  	s5 =	sshll.u32 s26, $0x1;
	_ =	strace $0x80000046;
	[dreg:$0x1] =	wrdreg $0xFFFFFFFF  }
0xad: {  	s28 =	simm.s32 $_size_execute0_lowered;
	s3 =	sadd.s32 s3, s5;
	[dreg:$0x0] =	wrdreg $0x0  }
0xae: {  	s5 =	sshll.u32 s28, $0x1;
	[dreg:$0x2] =	wrdreg s3  }
0xaf: {  	[dreg:$0x3] =	wrdreg s5  }
0xb0: {  	[dreg:$0x4] =	wrdreg $0xC0  }
0xb1: {  	_ =	task [dreg:s7], $0x5FFFF  }
0xb2: {  	[dreg:$0x1] =	wrdreg $0xFFFFFFFF  }
0xb3: {  	[dreg:$0x0] =	wrdreg $0x60  }
0xb4: {  	[dreg:$0x2] =	wrdreg s24  }
0xb5: {  	[dreg:$0x3] =	wrdreg s16  }
0xb6: {  	[dreg:$0x4] =	wrdreg $0x9  }
0xb7: {  	_ =	task.clear_ibuf [dreg:s7], $0x5FFFF;
	_ =	strace $0x90000046  }
0xb8: {  	s29 =	simm.s32 $0x9;
	_ =	strace $0x80000048  }
0xb9: {  	_ =	swait.ge [sflag:s29], $0x1  }
0xba: {  	[sflag:s29] =	ssyncadd.s32 $0xFFFFFFFF  }
0xbb: {  	_ =	strace $0x90000048  }
0xbc: {  	_ =	sfence  }
0xbd: {  	s30 =	sld [smem:$0x0];
	_ =	sdelay $0x2  }
0xbe: {  	s31 =	sshll.u32 s1, $0xD;
	s1 =	sshrl.u32 s1, $0x2  }
0xbf: {  	s3 =	sand.u32 $0x4000, s31;
	s1 =	sadd.s32 s1, s30  }
0xc0: {  	s0 =	sor.u32 s3, s0;
	s1 =	sshll.u32 s1, $0x11  }
0xc1: {  	s0 =	sor.u32 s1, s0  }
0xc2: {  	s0 =	sadd.s32 $0x8F2B, s0  }
0xc3: {  	[sflag:s0] =	ssyncadd.remote.s32 $0x1  }
0xc4: {  	_ =	sfence.sel $0xFFFF  }
0xc5: {  	[dreg:$0x0] =	wrdreg $0xFFFFFFFF;
	(pc) =	sbr.abs _section_cstart, $3  }
0xc6: {  	[dreg:$0x1] =	wrdreg $0xFFFFFFFF  }
0xc7: {  	_ =	task.clear_ibuf [dreg:s7], $0x2FFFF;
	_ =	strace $0x9FFFFFFF  }
0xc8: {  	(tm) =	ssettm $0x7FFFFFFF  }
0xc9: {  	_ =	shalt  }
tec
execute0_lowered:
.L_overlay_start_1:
0x0: {  	(tag) =	ssettag $0x1  }
0x1: {  	s1 =	srdreg.scid  }
0x2: {  	s0 =	stileid.u32;
	s7 =	sand.u32 $0x1, s1  }
0x3: {  	s1 =	sor.u32 s7, s0  }
0x4: {  	p1 =	seq.s32 s7, $0x1;
	p0 =	seq.s32 s1, $0x0  }
0x5: {  	p0 =	por !p0, !p1  }
0x6: {  	s1 =	simm.s32 $0x1;
	p0 =	por !p0, !p0  }
0x7: {  	s1 =	simm.s32 @!p0 $0x0  }
0x8: {  	s8 =	ssub.s32 s0, s1  }
0x9: {  	s2 =	rddreg [dreg:$0x0];
	s3 =	sshll.u32 s7, $0x9;
	s1 =	sshll.u32 s8, $0xA  }
0xa: {  	s9 =	rddreg [dreg:$0x1];
	s6 =	simm.s32 $0x1;
	s4 =	sor.u32 s3, s1  }
0xb: {  	s1 =	rddreg [dreg:$0x2];
	s3 =	simm.s32 $0x0;
	s4 =	sshrl.u32 s4, $0x3  }
0xc: {  	s10 =	ssub.s32 $0x2, s7;
	[smem:$0x7FF] =	sst s3;
	s4 =	sadd.s32 s4, s2  }
0xd: {  	_ =	strace $0x80000047;
	s5 =	sadd.s32 $0x10000, s4;
	s4 =	simm.s32 $0x2  }
0xe: {  	[tilespmem:s3], [sflag:$0x2] =	stream.linear.gather [hbm4b:s5+s3], $0x200, $0x38;
	[tilespmem:$0x10200] =	vst v63  }
0xf: {  	s11 =	sshll.u32 s7, $0x10;
	s30 =	sshrl.u32 s10, $0x1;
	_ =	swait.ge [sflag:s4], $0x200  }
0x10: {  	s7 =	simm.s32 $0x200;
	s10 =	ssub.s32 s10, s30;
	[sflag:s4] =	ssyncset.done $0x0  }
0x11: {  	s31 =	smax.u32 s10, $0x1;
	s8 =	sshll.u32 s8, $0x11;
	[sflag:s4] =	ssyncadd.s32 $0xFFFFFE00  }
0x12: {  	[tilespmem:s7], [sflag:$0x1] =	stream.indirect.gather [hbm4b:s2+s7], $0x80, s3, s7, $0xb8;
	[tilespmem:$0x10200] =	vst v63  }
0x13: {  	p0 =	sne.s32 s31, $0x1;
	s8 =	sor.u32 s11, s8;
	_ =	swait.ge [sflag:s6], $0x10000  }
.Ltmp0:
0x14: {  	s8 =	sshrl.u32 s8, $0x3;
	[sflag:s6] =	ssyncset.done $0x0;
	(pc) =	sbr.rel @!p0 .LBB2_2-.Ltmp0, $4  }
0x15: {  	s8 =	sadd.s32 s9, s8;
	[sflag:s6] =	ssyncadd.s32 $0xFFFF0000  }
0x16: {  	[hbm4b:s8+s3] =	stream.linear.scatter [tilespmem:s7], [sflag:$0x2], $0x10000, $0x38;
	[tilespmem:$0x10200] =	vst v63  }
0x17: {  	_ =	swait.ge [sflag:s4], $0x10000  }
0x18: {  	s9 =	sadd.s32 $0xFFFFFFFF, s31;
	[sflag:s4] =	ssyncset.done $0x0  }
.LBB2_1:
0x19: {  	p0 =	sne.s32 s9, $0x1;
	s9 =	sadd.s32 $0xFFFFFFFF, s9;
	[sflag:s4] =	ssyncadd.s32 $0xFFFF0000  }
0x1a: {  	[tilespmem:s3], [sflag:$0x2] =	stream.linear.gather [hbm4b:s5+s3], $0x200, $0x38;
	[tilespmem:$0x10200] =	vst v63  }
0x1b: {  	_ =	swait.ge [sflag:s4], $0x200  }
0x1c: {  	[sflag:s4] =	ssyncset.done $0x0  }
0x1d: {  	[sflag:s4] =	ssyncadd.s32 $0xFFFFFE00  }
0x1e: {  	[tilespmem:s7], [sflag:$0x1] =	stream.indirect.gather [hbm4b:s2+s7], $0x80, s3, s7, $0xb8;
	[tilespmem:$0x10200] =	vst v63  }
0x1f: {  	_ =	swait.ge [sflag:s6], $0x10000  }
.Ltmp1:
0x20: {  	[sflag:s6] =	ssyncset.done $0x0;
	(pc) =	sbr.rel @p0 .LBB2_1-.Ltmp1, $4  }
0x21: {  	[sflag:s6] =	ssyncadd.s32 $0xFFFF0000  }
0x22: {  	[hbm4b:s8+s3] =	stream.linear.scatter [tilespmem:s7], [sflag:$0x2], $0x10000, $0x38;
	[tilespmem:$0x10200] =	vst v63  }
0x23: {  	_ =	swait.ge [sflag:s4], $0x10000  }
0x24: {  	[sflag:s4] =	ssyncset.done $0x0  }
.LBB2_2:
0x25: {  	[sflag:s4] =	ssyncadd.s32 $0xFFFF0000  }
0x26: {  	_ =	sfence.sel $0x180000  }
0x27: {  	[bflag:$0x0] =	sbarrier.arrive $0xFFFF  }
0x28: {  	p0 =	sne.s32 s0, $0x0;
	_ =	strace $0x90000047  }
0x29: {  	s0 =	sadd.s32 @!p0 $0x100000, s1;
	[bflag:$0x2] =	sbarrier.arrive $0xFFFF  }
0x2a: {  	[sflag:s0] =	ssyncadd.tile.s32 @!p0 $0x1;
	_ =	shalt  }
.Lfunc_end2:
_tile_overlayer_lowered:
.L_overlay_start_2:
0x2b: {  	(tag) =	ssettag $0x2  }
0x2c: {  	s0 =	rddreg [dreg:$0x0];
	s2 =	stileid.u32  }
0x2d: {  	s1 =	rddreg [dreg:$0x1];
	p0 =	sne.s32 s2, $0x0  }
0x2e: {  	s3 =	rddreg [dreg:$0x2];
	[bflag:$0x3] =	sbarrier.arrive $0xFFFF;
	s2 =	simm.s32 @!p0 $0x1C02  }
0x2f: {  	[timem:s3], [sflag:s2] =	dma.local @!p0 [hbm:s0], s1  }
0x30: {  	s0 =	simm.s32 @!p0 $0x2  }
0x31: {  	_ =	swait.ge @!p0 [sflag:s0], s1  }
0x32: {  	s1 =	ssub.s32 @!p0 $0x0, s1;
	[sflag:s0] =	ssyncset.done @!p0 $0x0  }
0x33: {  	[sflag:s0] =	ssyncadd.s32 @!p0 s1  }
0x34: {  	[bflag:$0x3] =	sbarrier.arrive $0xFFFF  }
0x35: {  	_ =	shalt  }

</sc_bundles>
